<compile_context>
chip_gen: v7x
topology: tpu7x:2x2x1
jax: 0.10.2.dev20260603
libtpu: 0.0.44.dev20260713+nightly
codegen_flags: <defaults>
</compile_context>

<pallas_src>
import functools

import jax
import jax.numpy as jnp
from jax import lax
from jax.experimental import pallas as pl
from jax.experimental.pallas import tpu as pltpu
from jax.experimental.pallas import tpu_sc as plsc

_LANES = 16
_CH = 512


def _sc_gather(idx_flat, offs, tab1, V, D, nc, ns):
    BF = idx_flat.shape[0]
    nw = nc * ns
    epw = BF // nw
    nvec = epw // _LANES
    npair = epw // (2 * _CH)
    mesh = plsc.VectorSubcoreMesh(core_axis_name="c", subcore_axis_name="s")

    @functools.partial(
        pl.kernel,
        mesh=mesh,
        out_type=jax.ShapeDtypeStruct((BF * D,), jnp.float32),
        scratch_types=[
            pltpu.VMEM((epw,), jnp.int32),
            pltpu.VMEM((epw,), jnp.int32),
            pltpu.VMEM((_CH * D,), jnp.int32),
            pltpu.VMEM((_CH * D,), jnp.int32),
            pltpu.VMEM((_CH * D,), jnp.float32),
            pltpu.VMEM((_CH * D,), jnp.float32),
            pltpu.SemaphoreType.DMA,
            pltpu.SemaphoreType.DMA,
            pltpu.SemaphoreType.DMA,
            pltpu.SemaphoreType.DMA,
        ],
        compiler_params=pltpu.CompilerParams(
            use_tc_tiling_on_sc=False, needs_layout_passes=False),
    )
    def gather_kernel(idx_hbm, offs_hbm, tab_hbm, x_hbm,
                      base_v, offs_v, e0, e1, raw0, raw1, g0, g1, w0, w1):
        wid = lax.axis_index("s") * nc + lax.axis_index("c")
        base = wid * epw
        pltpu.sync_copy(idx_hbm.at[pl.ds(base, epw)], base_v)
        pltpu.sync_copy(offs_hbm, offs_v)

        lane = lax.iota(jnp.int32, _LANES)

        def prep(k, carry):
            o = k * _LANES
            base_v[pl.ds(o, _LANES)] = (
                base_v[pl.ds(o, _LANES)] + offs_v[pl.ds(o, _LANES)])
            return carry

        lax.fori_loop(0, nvec, prep, 0)

        eids = (e0, e1)
        raws = (raw0, raw1)
        gsem = (g0, g1)
        wsem = (w0, w1)

        def expand(c, eid):
            def group(m, carry):
                gvec = base_v[pl.ds(c * _CH + m * _LANES, _LANES)]
                pos = (m * _LANES + lane) * D
                for d in range(D):
                    plsc.store_scatter(eid, [pos + d], gvec + d * V)
                return carry

            lax.fori_loop(0, _CH // _LANES, group, 0)

        def pair(p, carry):
            gcp = [None, None]
            wcp = [None, None]
            for h in range(2):
                c = p * 2 + h
                expand(c, eids[h])
                gcp[h] = pltpu.async_copy(
                    tab_hbm.at[eids[h]], raws[h], gsem[h])
            for h in range(2):
                c = p * 2 + h
                gcp[h].wait()
                wcp[h] = pltpu.async_copy(
                    raws[h],
                    x_hbm.at[pl.ds((base + c * _CH) * D, _CH * D)],
                    wsem[h])
            for h in range(2):
                wcp[h].wait()
            return carry

        lax.fori_loop(0, npair, pair, 0)

    return gather_kernel(idx_flat, offs, tab1)


def _tc_matmul(x2, m2, wr, bb=2048):
    B, K = x2.shape
    A = wr.shape[-1]

    def body(x_ref, m_ref, w_ref, o_ref):
        wm = w_ref[...] * m_ref[...]
        o_ref[...] = jnp.dot(x_ref[...], wm,
                             preferred_element_type=jnp.float32)

    return pl.pallas_call(
        body,
        grid=(B // bb,),
        in_specs=[
            pl.BlockSpec((bb, K), lambda n: (n, 0)),
            pl.BlockSpec((K, 1), lambda n: (0, 0)),
            pl.BlockSpec((K, A), lambda n: (0, 0)),
        ],
        out_specs=pl.BlockSpec((bb, A), lambda n: (n, 0)),
        out_shape=jax.ShapeDtypeStruct((B, A), jnp.float32),
    )(x2, m2, wr)


def kernel(inputs, tables, mask, weight):
    B, F = inputs.shape
    _, V, D = tables.shape
    A = weight.shape[-1]
    info = plsc.get_sparse_core_info()
    nw = info.num_cores * info.num_subcores

    idx_flat = jnp.asarray(inputs, jnp.int32).reshape(B * F)
    offs = jnp.tile(jnp.arange(F, dtype=jnp.int32) * (D * V),
                    (B * F // nw) // F)
    tab1 = jnp.swapaxes(tables, 1, 2).reshape(F * D * V)

    x = _sc_gather(idx_flat, offs, tab1, V, D,
                   info.num_cores, info.num_subcores)
    x2 = x.reshape(B, F * D)
    return _tc_matmul(x2, mask.reshape(F * D, 1), weight.reshape(F * D, A))

# --- scband reference (transcript-rebuilt; emitter-appended) ---
"""Pipeline reference for scband-sseds-49340584297183 (READ-ONLY COPY).

The authoritative reference and input builder live on the scoring server;
editing this copy changes nothing except your own understanding.
"""

import jax, jax.numpy as jnp
import numpy as np

B = 16384
F = 26
V = 100000
D = 16
A = 16


def setup_inputs(seed: int = 0) -> dict:
    key = jax.random.key(seed)
    k1, k2, k3 = jax.random.split(key, 3)
    inputs = jax.random.randint(k1, (B, F), 0, V)
    tables = jax.random.normal(k2, (F, V, D), dtype=jnp.float32)
    mask = jnp.ones((F, D), dtype=jnp.float32)
    weight = jax.random.normal(k3, (F, D, A), dtype=jnp.float32) * 0.01
    return {"inputs": inputs, "tables": tables, "mask": mask, "weight": weight}


def reference(inputs, tables, mask, weight):
    # Faithful translation of sseds.forward:
    # per-feature embedding lookup, elementwise mask, concat, shared matmul.
    n_fea = tables.shape[0]
    emb_dim = tables.shape[2]
    X = []
    for i in range(n_fea):
        fea_emb = jnp.take(tables[i], inputs[:, i], axis=0)  # [B, D] gather
        X.append(fea_emb * mask[i])
    x = jnp.concatenate(X, axis=-1)  # [B, F*D]
    weight_ = weight.reshape(n_fea * emb_dim, weight.shape[-1])  # concat along dim 0
    output = jnp.matmul(x, weight_)  # [B, A]
    return output

if __name__ == "__main__":
    import jax
    _d = setup_inputs()
    print(jax.jit(kernel)(*tuple(_d.values())))

</pallas_src>

<mosaic_0001>
#map = affine_map<(d0, d1) -> (0)>
module attributes {stable_mosaic.version = 14 : i64} {
  func.func @gather_kernel(%arg0: i32, %arg1: i32, %arg2: memref<425984xi32, #tpu.memory_space<hbm>>, %arg3: memref<13312xi32, #tpu.memory_space<hbm>>, %arg4: memref<41600000xf32, #tpu.memory_space<hbm>>, %arg5: memref<6815744xf32, #tpu.memory_space<hbm>>, %arg6: memref<13312xi32, #tpu.memory_space<vmem>>, %arg7: memref<13312xi32, #tpu.memory_space<vmem>>, %arg8: memref<8192xi32, #tpu.memory_space<vmem>>, %arg9: memref<8192xi32, #tpu.memory_space<vmem>>, %arg10: memref<8192xf32, #tpu.memory_space<vmem>>, %arg11: memref<8192xf32, #tpu.memory_space<vmem>>, %arg12: memref<!tpu.dma_semaphore, #tpu.memory_space<semaphore_mem>>, %arg13: memref<!tpu.dma_semaphore, #tpu.memory_space<semaphore_mem>>, %arg14: memref<!tpu.dma_semaphore, #tpu.memory_space<semaphore_mem>>, %arg15: memref<!tpu.dma_semaphore, #tpu.memory_space<semaphore_mem>>) attributes {dimension_semantics = [#tpu.dimension_semantics<core_parallel>, #tpu.dimension_semantics<subcore_parallel>], iteration_bounds = array<i64: 2, 16>, scalar_prefetch = 0 : i64, scratch_operands = 10 : i64, tpu.core_type = #tpu.core_type<sc_vector_subcore>, window_params = [{transform_indices = #map}, {transform_indices = #map}, {transform_indices = #map}, {transform_indices = #map}]} {
    %mul3A = arith.constant 2 : i32
    %mul3A_0 = arith.muli %arg1, %mul3A : i32
    %add3A = arith.addi %mul3A_0, %arg0 : i32
    %mul3A_1 = arith.constant 13312 : i32
    %mul3A_2 = arith.muli %add3A, %mul3A_1 : i32
    "tpu.region"() ({
      %run_scoped3A = tpu.sem_alloc : memref<!tpu.dma_semaphore, #tpu.memory_space<semaphore_mem>>
      %dma_start3A = tpu.memref_slice %arg2[%mul3A_2] : memref<425984xi32, #tpu.memory_space<hbm>> -> memref<13312xi32, #tpu.memory_space<hbm>>
      %dma_start3A_14 = tpu.memref_slice %arg2[%mul3A_2] : memref<425984xi32, #tpu.memory_space<hbm>> -> memref<13312xi32, #tpu.memory_space<hbm>>
      tpu.enqueue_dma source(%dma_start3A_14 : memref<13312xi32, #tpu.memory_space<hbm>>) target(%arg6 : memref<13312xi32, #tpu.memory_space<vmem>>) target_semaphore(%run_scoped3A : memref<!tpu.dma_semaphore, #tpu.memory_space<semaphore_mem>>)
      %dma_wait3A = tpu.memref_slice %arg2[%mul3A_2] : memref<425984xi32, #tpu.memory_space<hbm>> -> memref<13312xi32, #tpu.memory_space<hbm>>
      %dma_wait3A_15 = tpu.memref_slice %arg2[%mul3A_2] : memref<425984xi32, #tpu.memory_space<hbm>> -> memref<13312xi32, #tpu.memory_space<hbm>>
      tpu.wait_dma2 semaphore(%run_scoped3A : memref<!tpu.dma_semaphore, #tpu.memory_space<semaphore_mem>>) src(%dma_wait3A_15 : memref<13312xi32, #tpu.memory_space<hbm>>) dst(%arg6 : memref<13312xi32, #tpu.memory_space<vmem>>)
      tpu.yield
    }) : () -> ()
    "tpu.region"() ({
      %run_scoped3A = tpu.sem_alloc : memref<!tpu.dma_semaphore, #tpu.memory_space<semaphore_mem>>
      tpu.enqueue_dma source(%arg3 : memref<13312xi32, #tpu.memory_space<hbm>>) target(%arg7 : memref<13312xi32, #tpu.memory_space<vmem>>) target_semaphore(%run_scoped3A : memref<!tpu.dma_semaphore, #tpu.memory_space<semaphore_mem>>)
      tpu.wait_dma2 semaphore(%run_scoped3A : memref<!tpu.dma_semaphore, #tpu.memory_space<semaphore_mem>>) src(%arg3 : memref<13312xi32, #tpu.memory_space<hbm>>) dst(%arg7 : memref<13312xi32, #tpu.memory_space<vmem>>)
      tpu.yield
    }) : () -> ()
    %iota3A = tpu.iota {dimensions = array<i32: 0>} : vector<16xi32>
    %scan3A = arith.constant 0 : i32
    %scan3A_3 = arith.constant 0 : i32
    %scan3A_4 = arith.constant 832 : i32
    %scan3A_5 = arith.addi %scan3A_3, %scan3A_4 : i32
    %scan3A_6 = arith.constant 1 : i32
    scf.for %scan3A_14 = %scan3A_3 to %scan3A_5 step %scan3A_6  : i32 {
      %mul3A_15 = arith.constant 16 : i32
      %mul3A_16 = arith.muli %scan3A_14, %mul3A_15 : i32
      %get3A = arith.index_cast %mul3A_16 : i32 to index
      %get3A_17 = tpu.vector_load %arg6[%get3A] {strides = array<i32>} : memref<13312xi32, #tpu.memory_space<vmem>>, vector<16xi32>,
      %get3A_18 = arith.index_cast %mul3A_16 : i32 to index
      %get3A_19 = tpu.vector_load %arg7[%get3A_18] {strides = array<i32>} : memref<13312xi32, #tpu.memory_space<vmem>>, vector<16xi32>,
      %add3A_20 = arith.addi %get3A_17, %get3A_19 : vector<16xi32>
      %swap3A = arith.index_cast %mul3A_16 : i32 to index
      %swap3A_21 = tpu.vector_load %arg6[%swap3A] {strides = array<i32>} : memref<13312xi32, #tpu.memory_space<vmem>>, vector<16xi32>,
      tpu.vector_store %arg6[%swap3A], %add3A_20 {strides = array<i32>} : memref<13312xi32, #tpu.memory_space<vmem>>, vector<16xi32>,
    }
    %scan3A_7 = arith.constant 832 : i32
    %scan3A_8 = arith.constant 0 : i32
    %scan3A_9 = arith.constant 0 : i32
    %scan3A_10 = arith.constant 13 : i32
    %scan3A_11 = arith.addi %scan3A_9, %scan3A_10 : i32
    %scan3A_12 = arith.constant 1 : i32
    scf.for %scan3A_14 = %scan3A_9 to %scan3A_11 step %scan3A_12  : i32 {
      %mul3A_15 = arith.constant 2 : i32
      %mul3A_16 = arith.muli %scan3A_14, %mul3A_15 : i32
      %add3A_17 = arith.constant 0 : i32
      %add3A_18 = arith.addi %mul3A_16, %add3A_17 : i32
      %scan3A_19 = arith.constant 0 : i32
      %scan3A_20 = arith.constant 0 : i32
      %scan3A_21 = arith.constant 32 : i32
      %scan3A_22 = arith.addi %scan3A_20, %scan3A_21 : i32
      %scan3A_23 = arith.constant 1 : i32
      scf.for %scan3A_67 = %scan3A_20 to %scan3A_22 step %scan3A_23  : i32 {
        %mul3A_68 = arith.constant 512 : i32
        %mul3A_69 = arith.muli %add3A_18, %mul3A_68 : i32
        %mul3A_70 = arith.constant 16 : i32
        %mul3A_71 = arith.muli %scan3A_67, %mul3A_70 : i32
        %add3A_72 = arith.addi %mul3A_69, %mul3A_71 : i32
        %get3A = arith.index_cast %add3A_72 : i32 to index
        %get3A_73 = tpu.vector_load %arg6[%get3A] {strides = array<i32>} : memref<13312xi32, #tpu.memory_space<vmem>>, vector<16xi32>,
        %mul3A_74 = arith.constant 16 : i32
        %mul3A_75 = arith.muli %scan3A_67, %mul3A_74 : i32
        %add3A_76 = vector.broadcast %mul3A_75 : i32 to vector<16xi32>
        %add3A_77 = arith.addi %add3A_76, %iota3A : vector<16xi32>
        %mul3A_78 = arith.constant 16 : i32
        %mul3A_79 = vector.broadcast %mul3A_78 : i32 to vector<16xi32>
        %mul3A_80 = arith.muli %add3A_77, %mul3A_79 : vector<16xi32>
        %add3A_81 = arith.constant 0 : i32
        %add3A_82 = vector.broadcast %add3A_81 : i32 to vector<16xi32>
        %add3A_83 = arith.addi %mul3A_80, %add3A_82 : vector<16xi32>
        %add3A_84 = arith.constant 0 : i32
        %add3A_85 = vector.broadcast %add3A_84 : i32 to vector<16xi32>
        %add3A_86 = arith.addi %get3A_73, %add3A_85 : vector<16xi32>
        tpu.vector_store_idx %arg8[%add3A_83], %add3A_86 : memref<8192xi32, #tpu.memory_space<vmem>>[vector<16xi32>], vector<16xi32>,
        %add3A_87 = arith.constant 1 : i32
        %add3A_88 = vector.broadcast %add3A_87 : i32 to vector<16xi32>
        %add3A_89 = arith.addi %mul3A_80, %add3A_88 : vector<16xi32>
        %add3A_90 = arith.constant 100000 : i32
        %add3A_91 = vector.broadcast %add3A_90 : i32 to vector<16xi32>
        %add3A_92 = arith.addi %get3A_73, %add3A_91 : vector<16xi32>
        tpu.vector_store_idx %arg8[%add3A_89], %add3A_92 : memref<8192xi32, #tpu.memory_space<vmem>>[vector<16xi32>], vector<16xi32>,
        %add3A_93 = arith.constant 2 : i32
        %add3A_94 = vector.broadcast %add3A_93 : i32 to vector<16xi32>
        %add3A_95 = arith.addi %mul3A_80, %add3A_94 : vector<16xi32>
        %add3A_96 = arith.constant 200000 : i32
        %add3A_97 = vector.broadcast %add3A_96 : i32 to vector<16xi32>
        %add3A_98 = arith.addi %get3A_73, %add3A_97 : vector<16xi32>
        tpu.vector_store_idx %arg8[%add3A_95], %add3A_98 : memref<8192xi32, #tpu.memory_space<vmem>>[vector<16xi32>], vector<16xi32>,
        %add3A_99 = arith.constant 3 : i32
        %add3A_100 = vector.broadcast %add3A_99 : i32 to vector<16xi32>
        %add3A_101 = arith.addi %mul3A_80, %add3A_100 : vector<16xi32>
        %add3A_102 = arith.constant 300000 : i32
        %add3A_103 = vector.broadcast %add3A_102 : i32 to vector<16xi32>
        %add3A_104 = arith.addi %get3A_73, %add3A_103 : vector<16xi32>
        tpu.vector_store_idx %arg8[%add3A_101], %add3A_104 : memref<8192xi32, #tpu.memory_space<vmem>>[vector<16xi32>], vector<16xi32>,
        %add3A_105 = arith.constant 4 : i32
        %add3A_106 = vector.broadcast %add3A_105 : i32 to vector<16xi32>
        %add3A_107 = arith.addi %mul3A_80, %add3A_106 : vector<16xi32>
        %add3A_108 = arith.constant 400000 : i32
        %add3A_109 = vector.broadcast %add3A_108 : i32 to vector<16xi32>
        %add3A_110 = arith.addi %get3A_73, %add3A_109 : vector<16xi32>
        tpu.vector_store_idx %arg8[%add3A_107], %add3A_110 : memref<8192xi32, #tpu.memory_space<vmem>>[vector<16xi32>], vector<16xi32>,
        %add3A_111 = arith.constant 5 : i32
        %add3A_112 = vector.broadcast %add3A_111 : i32 to vector<16xi32>
        %add3A_113 = arith.addi %mul3A_80, %add3A_112 : vector<16xi32>
        %add3A_114 = arith.constant 500000 : i32
        %add3A_115 = vector.broadcast %add3A_114 : i32 to vector<16xi32>
        %add3A_116 = arith.addi %get3A_73, %add3A_115 : vector<16xi32>
        tpu.vector_store_idx %arg8[%add3A_113], %add3A_116 : memref<8192xi32, #tpu.memory_space<vmem>>[vector<16xi32>], vector<16xi32>,
        %add3A_117 = arith.constant 6 : i32
        %add3A_118 = vector.broadcast %add3A_117 : i32 to vector<16xi32>
        %add3A_119 = arith.addi %mul3A_80, %add3A_118 : vector<16xi32>
        %add3A_120 = arith.constant 600000 : i32
        %add3A_121 = vector.broadcast %add3A_120 : i32 to vector<16xi32>
        %add3A_122 = arith.addi %get3A_73, %add3A_121 : vector<16xi32>
        tpu.vector_store_idx %arg8[%add3A_119], %add3A_122 : memref<8192xi32, #tpu.memory_space<vmem>>[vector<16xi32>], vector<16xi32>,
        %add3A_123 = arith.constant 7 : i32
        %add3A_124 = vector.broadcast %add3A_123 : i32 to vector<16xi32>
        %add3A_125 = arith.addi %mul3A_80, %add3A_124 : vector<16xi32>
        %add3A_126 = arith.constant 700000 : i32
        %add3A_127 = vector.broadcast %add3A_126 : i32 to vector<16xi32>
        %add3A_128 = arith.addi %get3A_73, %add3A_127 : vector<16xi32>
        tpu.vector_store_idx %arg8[%add3A_125], %add3A_128 : memref<8192xi32, #tpu.memory_space<vmem>>[vector<16xi32>], vector<16xi32>,
        %add3A_129 = arith.constant 8 : i32
        %add3A_130 = vector.broadcast %add3A_129 : i32 to vector<16xi32>
        %add3A_131 = arith.addi %mul3A_80, %add3A_130 : vector<16xi32>
        %add3A_132 = arith.constant 800000 : i32
        %add3A_133 = vector.broadcast %add3A_132 : i32 to vector<16xi32>
        %add3A_134 = arith.addi %get3A_73, %add3A_133 : vector<16xi32>
        tpu.vector_store_idx %arg8[%add3A_131], %add3A_134 : memref<8192xi32, #tpu.memory_space<vmem>>[vector<16xi32>], vector<16xi32>,
        %add3A_135 = arith.constant 9 : i32
        %add3A_136 = vector.broadcast %add3A_135 : i32 to vector<16xi32>
        %add3A_137 = arith.addi %mul3A_80, %add3A_136 : vector<16xi32>
        %add3A_138 = arith.constant 900000 : i32
        %add3A_139 = vector.broadcast %add3A_138 : i32 to vector<16xi32>
        %add3A_140 = arith.addi %get3A_73, %add3A_139 : vector<16xi32>
        tpu.vector_store_idx %arg8[%add3A_137], %add3A_140 : memref<8192xi32, #tpu.memory_space<vmem>>[vector<16xi32>], vector<16xi32>,
        %add3A_141 = arith.constant 10 : i32
        %add3A_142 = vector.broadcast %add3A_141 : i32 to vector<16xi32>
        %add3A_143 = arith.addi %mul3A_80, %add3A_142 : vector<16xi32>
        %add3A_144 = arith.constant 1000000 : i32
        %add3A_145 = vector.broadcast %add3A_144 : i32 to vector<16xi32>
        %add3A_146 = arith.addi %get3A_73, %add3A_145 : vector<16xi32>
        tpu.vector_store_idx %arg8[%add3A_143], %add3A_146 : memref<8192xi32, #tpu.memory_space<vmem>>[vector<16xi32>], vector<16xi32>,
        %add3A_147 = arith.constant 11 : i32
        %add3A_148 = vector.broadcast %add3A_147 : i32 to vector<16xi32>
        %add3A_149 = arith.addi %mul3A_80, %add3A_148 : vector<16xi32>
        %add3A_150 = arith.constant 1100000 : i32
        %add3A_151 = vector.broadcast %add3A_150 : i32 to vector<16xi32>
        %add3A_152 = arith.addi %get3A_73, %add3A_151 : vector<16xi32>
        tpu.vector_store_idx %arg8[%add3A_149], %add3A_152 : memref<8192xi32, #tpu.memory_space<vmem>>[vector<16xi32>], vector<16xi32>,
        %add3A_153 = arith.constant 12 : i32
        %add3A_154 = vector.broadcast %add3A_153 : i32 to vector<16xi32>
        %add3A_155 = arith.addi %mul3A_80, %add3A_154 : vector<16xi32>
        %add3A_156 = arith.constant 1200000 : i32
        %add3A_157 = vector.broadcast %add3A_156 : i32 to vector<16xi32>
        %add3A_158 = arith.addi %get3A_73, %add3A_157 : vector<16xi32>
        tpu.vector_store_idx %arg8[%add3A_155], %add3A_158 : memref<8192xi32, #tpu.memory_space<vmem>>[vector<16xi32>], vector<16xi32>,
        %add3A_159 = arith.constant 13 : i32
        %add3A_160 = vector.broadcast %add3A_159 : i32 to vector<16xi32>
        %add3A_161 = arith.addi %mul3A_80, %add3A_160 : vector<16xi32>
        %add3A_162 = arith.constant 1300000 : i32
        %add3A_163 = vector.broadcast %add3A_162 : i32 to vector<16xi32>
        %add3A_164 = arith.addi %get3A_73, %add3A_163 : vector<16xi32>
        tpu.vector_store_idx %arg8[%add3A_161], %add3A_164 : memref<8192xi32, #tpu.memory_space<vmem>>[vector<16xi32>], vector<16xi32>,
        %add3A_165 = arith.constant 14 : i32
        %add3A_166 = vector.broadcast %add3A_165 : i32 to vector<16xi32>
        %add3A_167 = arith.addi %mul3A_80, %add3A_166 : vector<16xi32>
        %add3A_168 = arith.constant 1400000 : i32
        %add3A_169 = vector.broadcast %add3A_168 : i32 to vector<16xi32>
        %add3A_170 = arith.addi %get3A_73, %add3A_169 : vector<16xi32>
        tpu.vector_store_idx %arg8[%add3A_167], %add3A_170 : memref<8192xi32, #tpu.memory_space<vmem>>[vector<16xi32>], vector<16xi32>,
        %add3A_171 = arith.constant 15 : i32
        %add3A_172 = vector.broadcast %add3A_171 : i32 to vector<16xi32>
        %add3A_173 = arith.addi %mul3A_80, %add3A_172 : vector<16xi32>
        %add3A_174 = arith.constant 1500000 : i32
        %add3A_175 = vector.broadcast %add3A_174 : i32 to vector<16xi32>
        %add3A_176 = arith.addi %get3A_73, %add3A_175 : vector<16xi32>
        tpu.vector_store_idx %arg8[%add3A_173], %add3A_176 : memref<8192xi32, #tpu.memory_space<vmem>>[vector<16xi32>], vector<16xi32>,
      }
      %scan3A_24 = arith.constant 32 : i32
      %dma_start3A = arith.constant 0 : i32
      %dma_start3A_25 = tpu.memref_slice %arg4[%dma_start3A] : memref<41600000xf32, #tpu.memory_space<hbm>> -> memref<41600000xf32, #tpu.memory_space<hbm>>
      tpu.enqueue_indirect_dma source(%dma_start3A_25 : memref<41600000xf32, #tpu.memory_space<hbm>>) target(%arg10 : memref<8192xf32, #tpu.memory_space<vmem>>) offsets(%arg8 : memref<8192xi32, #tpu.memory_space<vmem>>) semaphore(%arg12 : memref<!tpu.dma_semaphore, #tpu.memory_space<semaphore_mem>>)
      %mul3A_26 = arith.constant 2 : i32
      %mul3A_27 = arith.muli %scan3A_14, %mul3A_26 : i32
      %add3A_28 = arith.constant 1 : i32
      %add3A_29 = arith.addi %mul3A_27, %add3A_28 : i32
      %scan3A_30 = arith.constant 0 : i32
      %scan3A_31 = arith.constant 0 : i32
      %scan3A_32 = arith.constant 32 : i32
      %scan3A_33 = arith.addi %scan3A_31, %scan3A_32 : i32
      %scan3A_34 = arith.constant 1 : i32
      scf.for %scan3A_67 = %scan3A_31 to %scan3A_33 step %scan3A_34  : i32 {
        %mul3A_68 = arith.constant 512 : i32
        %mul3A_69 = arith.muli %add3A_29, %mul3A_68 : i32
        %mul3A_70 = arith.constant 16 : i32
        %mul3A_71 = arith.muli %scan3A_67, %mul3A_70 : i32
        %add3A_72 = arith.addi %mul3A_69, %mul3A_71 : i32
        %get3A = arith.index_cast %add3A_72 : i32 to index
        %get3A_73 = tpu.vector_load %arg6[%get3A] {strides = array<i32>} : memref<13312xi32, #tpu.memory_space<vmem>>, vector<16xi32>,
        %mul3A_74 = arith.constant 16 : i32
        %mul3A_75 = arith.muli %scan3A_67, %mul3A_74 : i32
        %add3A_76 = vector.broadcast %mul3A_75 : i32 to vector<16xi32>
        %add3A_77 = arith.addi %add3A_76, %iota3A : vector<16xi32>
        %mul3A_78 = arith.constant 16 : i32
        %mul3A_79 = vector.broadcast %mul3A_78 : i32 to vector<16xi32>
        %mul3A_80 = arith.muli %add3A_77, %mul3A_79 : vector<16xi32>
        %add3A_81 = arith.constant 0 : i32
        %add3A_82 = vector.broadcast %add3A_81 : i32 to vector<16xi32>
        %add3A_83 = arith.addi %mul3A_80, %add3A_82 : vector<16xi32>
        %add3A_84 = arith.constant 0 : i32
        %add3A_85 = vector.broadcast %add3A_84 : i32 to vector<16xi32>
        %add3A_86 = arith.addi %get3A_73, %add3A_85 : vector<16xi32>
        tpu.vector_store_idx %arg9[%add3A_83], %add3A_86 : memref<8192xi32, #tpu.memory_space<vmem>>[vector<16xi32>], vector<16xi32>,
        %add3A_87 = arith.constant 1 : i32
        %add3A_88 = vector.broadcast %add3A_87 : i32 to vector<16xi32>
        %add3A_89 = arith.addi %mul3A_80, %add3A_88 : vector<16xi32>
        %add3A_90 = arith.constant 100000 : i32
        %add3A_91 = vector.broadcast %add3A_90 : i32 to vector<16xi32>
        %add3A_92 = arith.addi %get3A_73, %add3A_91 : vector<16xi32>
        tpu.vector_store_idx %arg9[%add3A_89], %add3A_92 : memref<8192xi32, #tpu.memory_space<vmem>>[vector<16xi32>], vector<16xi32>,
        %add3A_93 = arith.constant 2 : i32
        %add3A_94 = vector.broadcast %add3A_93 : i32 to vector<16xi32>
        %add3A_95 = arith.addi %mul3A_80, %add3A_94 : vector<16xi32>
        %add3A_96 = arith.constant 200000 : i32
        %add3A_97 = vector.broadcast %add3A_96 : i32 to vector<16xi32>
        %add3A_98 = arith.addi %get3A_73, %add3A_97 : vector<16xi32>
        tpu.vector_store_idx %arg9[%add3A_95], %add3A_98 : memref<8192xi32, #tpu.memory_space<vmem>>[vector<16xi32>], vector<16xi32>,
        %add3A_99 = arith.constant 3 : i32
        %add3A_100 = vector.broadcast %add3A_99 : i32 to vector<16xi32>
        %add3A_101 = arith.addi %mul3A_80, %add3A_100 : vector<16xi32>
        %add3A_102 = arith.constant 300000 : i32
        %add3A_103 = vector.broadcast %add3A_102 : i32 to vector<16xi32>
        %add3A_104 = arith.addi %get3A_73, %add3A_103 : vector<16xi32>
        tpu.vector_store_idx %arg9[%add3A_101], %add3A_104 : memref<8192xi32, #tpu.memory_space<vmem>>[vector<16xi32>], vector<16xi32>,
        %add3A_105 = arith.constant 4 : i32
        %add3A_106 = vector.broadcast %add3A_105 : i32 to vector<16xi32>
        %add3A_107 = arith.addi %mul3A_80, %add3A_106 : vector<16xi32>
        %add3A_108 = arith.constant 400000 : i32
        %add3A_109 = vector.broadcast %add3A_108 : i32 to vector<16xi32>
        %add3A_110 = arith.addi %get3A_73, %add3A_109 : vector<16xi32>
        tpu.vector_store_idx %arg9[%add3A_107], %add3A_110 : memref<8192xi32, #tpu.memory_space<vmem>>[vector<16xi32>], vector<16xi32>,
        %add3A_111 = arith.constant 5 : i32
        %add3A_112 = vector.broadcast %add3A_111 : i32 to vector<16xi32>
        %add3A_113 = arith.addi %mul3A_80, %add3A_112 : vector<16xi32>
        %add3A_114 = arith.constant 500000 : i32
        %add3A_115 = vector.broadcast %add3A_114 : i32 to vector<16xi32>
        %add3A_116 = arith.addi %get3A_73, %add3A_115 : vector<16xi32>
        tpu.vector_store_idx %arg9[%add3A_113], %add3A_116 : memref<8192xi32, #tpu.memory_space<vmem>>[vector<16xi32>], vector<16xi32>,
        %add3A_117 = arith.constant 6 : i32
        %add3A_118 = vector.broadcast %add3A_117 : i32 to vector<16xi32>
        %add3A_119 = arith.addi %mul3A_80, %add3A_118 : vector<16xi32>
        %add3A_120 = arith.constant 600000 : i32
        %add3A_121 = vector.broadcast %add3A_120 : i32 to vector<16xi32>
        %add3A_122 = arith.addi %get3A_73, %add3A_121 : vector<16xi32>
        tpu.vector_store_idx %arg9[%add3A_119], %add3A_122 : memref<8192xi32, #tpu.memory_space<vmem>>[vector<16xi32>], vector<16xi32>,
        %add3A_123 = arith.constant 7 : i32
        %add3A_124 = vector.broadcast %add3A_123 : i32 to vector<16xi32>
        %add3A_125 = arith.addi %mul3A_80, %add3A_124 : vector<16xi32>
        %add3A_126 = arith.constant 700000 : i32
        %add3A_127 = vector.broadcast %add3A_126 : i32 to vector<16xi32>
        %add3A_128 = arith.addi %get3A_73, %add3A_127 : vector<16xi32>
        tpu.vector_store_idx %arg9[%add3A_125], %add3A_128 : memref<8192xi32, #tpu.memory_space<vmem>>[vector<16xi32>], vector<16xi32>,
        %add3A_129 = arith.constant 8 : i32
        %add3A_130 = vector.broadcast %add3A_129 : i32 to vector<16xi32>
        %add3A_131 = arith.addi %mul3A_80, %add3A_130 : vector<16xi32>
        %add3A_132 = arith.constant 800000 : i32
        %add3A_133 = vector.broadcast %add3A_132 : i32 to vector<16xi32>
        %add3A_134 = arith.addi %get3A_73, %add3A_133 : vector<16xi32>
        tpu.vector_store_idx %arg9[%add3A_131], %add3A_134 : memref<8192xi32, #tpu.memory_space<vmem>>[vector<16xi32>], vector<16xi32>,
        %add3A_135 = arith.constant 9 : i32
        %add3A_136 = vector.broadcast %add3A_135 : i32 to vector<16xi32>
        %add3A_137 = arith.addi %mul3A_80, %add3A_136 : vector<16xi32>
        %add3A_138 = arith.constant 900000 : i32
        %add3A_139 = vector.broadcast %add3A_138 : i32 to vector<16xi32>
        %add3A_140 = arith.addi %get3A_73, %add3A_139 : vector<16xi32>
        tpu.vector_store_idx %arg9[%add3A_137], %add3A_140 : memref<8192xi32, #tpu.memory_space<vmem>>[vector<16xi32>], vector<16xi32>,
        %add3A_141 = arith.constant 10 : i32
        %add3A_142 = vector.broadcast %add3A_141 : i32 to vector<16xi32>
        %add3A_143 = arith.addi %mul3A_80, %add3A_142 : vector<16xi32>
        %add3A_144 = arith.constant 1000000 : i32
        %add3A_145 = vector.broadcast %add3A_144 : i32 to vector<16xi32>
        %add3A_146 = arith.addi %get3A_73, %add3A_145 : vector<16xi32>
        tpu.vector_store_idx %arg9[%add3A_143], %add3A_146 : memref<8192xi32, #tpu.memory_space<vmem>>[vector<16xi32>], vector<16xi32>,
        %add3A_147 = arith.constant 11 : i32
        %add3A_148 = vector.broadcast %add3A_147 : i32 to vector<16xi32>
        %add3A_149 = arith.addi %mul3A_80, %add3A_148 : vector<16xi32>
        %add3A_150 = arith.constant 1100000 : i32
        %add3A_151 = vector.broadcast %add3A_150 : i32 to vector<16xi32>
        %add3A_152 = arith.addi %get3A_73, %add3A_151 : vector<16xi32>
        tpu.vector_store_idx %arg9[%add3A_149], %add3A_152 : memref<8192xi32, #tpu.memory_space<vmem>>[vector<16xi32>], vector<16xi32>,
        %add3A_153 = arith.constant 12 : i32
        %add3A_154 = vector.broadcast %add3A_153 : i32 to vector<16xi32>
        %add3A_155 = arith.addi %mul3A_80, %add3A_154 : vector<16xi32>
        %add3A_156 = arith.constant 1200000 : i32
        %add3A_157 = vector.broadcast %add3A_156 : i32 to vector<16xi32>
        %add3A_158 = arith.addi %get3A_73, %add3A_157 : vector<16xi32>
        tpu.vector_store_idx %arg9[%add3A_155], %add3A_158 : memref<8192xi32, #tpu.memory_space<vmem>>[vector<16xi32>], vector<16xi32>,
        %add3A_159 = arith.constant 13 : i32
        %add3A_160 = vector.broadcast %add3A_159 : i32 to vector<16xi32>
        %add3A_161 = arith.addi %mul3A_80, %add3A_160 : vector<16xi32>
        %add3A_162 = arith.constant 1300000 : i32
        %add3A_163 = vector.broadcast %add3A_162 : i32 to vector<16xi32>
        %add3A_164 = arith.addi %get3A_73, %add3A_163 : vector<16xi32>
        tpu.vector_store_idx %arg9[%add3A_161], %add3A_164 : memref<8192xi32, #tpu.memory_space<vmem>>[vector<16xi32>], vector<16xi32>,
        %add3A_165 = arith.constant 14 : i32
        %add3A_166 = vector.broadcast %add3A_165 : i32 to vector<16xi32>
        %add3A_167 = arith.addi %mul3A_80, %add3A_166 : vector<16xi32>
        %add3A_168 = arith.constant 1400000 : i32
        %add3A_169 = vector.broadcast %add3A_168 : i32 to vector<16xi32>
        %add3A_170 = arith.addi %get3A_73, %add3A_169 : vector<16xi32>
        tpu.vector_store_idx %arg9[%add3A_167], %add3A_170 : memref<8192xi32, #tpu.memory_space<vmem>>[vector<16xi32>], vector<16xi32>,
        %add3A_171 = arith.constant 15 : i32
        %add3A_172 = vector.broadcast %add3A_171 : i32 to vector<16xi32>
        %add3A_173 = arith.addi %mul3A_80, %add3A_172 : vector<16xi32>
        %add3A_174 = arith.constant 1500000 : i32
        %add3A_175 = vector.broadcast %add3A_174 : i32 to vector<16xi32>
        %add3A_176 = arith.addi %get3A_73, %add3A_175 : vector<16xi32>
        tpu.vector_store_idx %arg9[%add3A_173], %add3A_176 : memref<8192xi32, #tpu.memory_space<vmem>>[vector<16xi32>], vector<16xi32>,
      }
      %scan3A_35 = arith.constant 32 : i32
      %dma_start3A_36 = arith.constant 0 : i32
      %dma_start3A_37 = tpu.memref_slice %arg4[%dma_start3A_36] : memref<41600000xf32, #tpu.memory_space<hbm>> -> memref<41600000xf32, #tpu.memory_space<hbm>>
      tpu.enqueue_indirect_dma source(%dma_start3A_37 : memref<41600000xf32, #tpu.memory_space<hbm>>) target(%arg11 : memref<8192xf32, #tpu.memory_space<vmem>>) offsets(%arg9 : memref<8192xi32, #tpu.memory_space<vmem>>) semaphore(%arg13 : memref<!tpu.dma_semaphore, #tpu.memory_space<semaphore_mem>>)
      %mul3A_38 = arith.constant 2 : i32
      %mul3A_39 = arith.muli %scan3A_14, %mul3A_38 : i32
      %add3A_40 = arith.constant 0 : i32
      %add3A_41 = arith.addi %mul3A_39, %add3A_40 : i32
      %dma_wait3A = arith.constant 0 : i32
      %dma_wait3A_42 = tpu.memref_slice %arg4[%dma_wait3A] : memref<41600000xf32, #tpu.memory_space<hbm>> -> memref<41600000xf32, #tpu.memory_space<hbm>>
      tpu.wait_indirect_dma semaphore(%arg12 : memref<!tpu.dma_semaphore, #tpu.memory_space<semaphore_mem>>) src(%dma_wait3A_42 : memref<41600000xf32, #tpu.memory_space<hbm>>) dst(%arg10 : memref<8192xf32, #tpu.memory_space<vmem>>)
      %mul3A_43 = arith.constant 512 : i32
      %mul3A_44 = arith.muli %add3A_41, %mul3A_43 : i32
      %add3A_45 = arith.addi %mul3A_2, %mul3A_44 : i32
      %mul3A_46 = arith.constant 16 : i32
      %mul3A_47 = arith.muli %add3A_45, %mul3A_46 : i32
      %dma_start3A_48 = tpu.memref_slice %arg5[%mul3A_47] : memref<6815744xf32, #tpu.memory_space<hbm>> -> memref<8192xf32, #tpu.memory_space<hbm>>
      %dma_start3A_49 = tpu.memref_slice %arg5[%mul3A_47] : memref<6815744xf32, #tpu.memory_space<hbm>> -> memref<8192xf32, #tpu.memory_space<hbm>>
      tpu.enqueue_dma source(%arg10 : memref<8192xf32, #tpu.memory_space<vmem>>) target(%dma_start3A_49 : memref<8192xf32, #tpu.memory_space<hbm>>) target_semaphore(%arg14 : memref<!tpu.dma_semaphore, #tpu.memory_space<semaphore_mem>>)
      %mul3A_50 = arith.constant 2 : i32
      %mul3A_51 = arith.muli %scan3A_14, %mul3A_50 : i32
      %add3A_52 = arith.constant 1 : i32
      %add3A_53 = arith.addi %mul3A_51, %add3A_52 : i32
      %dma_wait3A_54 = arith.constant 0 : i32
      %dma_wait3A_55 = tpu.memref_slice %arg4[%dma_wait3A_54] : memref<41600000xf32, #tpu.memory_space<hbm>> -> memref<41600000xf32, #tpu.memory_space<hbm>>
      tpu.wait_indirect_dma semaphore(%arg13 : memref<!tpu.dma_semaphore, #tpu.memory_space<semaphore_mem>>) src(%dma_wait3A_55 : memref<41600000xf32, #tpu.memory_space<hbm>>) dst(%arg11 : memref<8192xf32, #tpu.memory_space<vmem>>)
      %mul3A_56 = arith.constant 512 : i32
      %mul3A_57 = arith.muli %add3A_53, %mul3A_56 : i32
      %add3A_58 = arith.addi %mul3A_2, %mul3A_57 : i32
      %mul3A_59 = arith.constant 16 : i32
      %mul3A_60 = arith.muli %add3A_58, %mul3A_59 : i32
      %dma_start3A_61 = tpu.memref_slice %arg5[%mul3A_60] : memref<6815744xf32, #tpu.memory_space<hbm>> -> memref<8192xf32, #tpu.memory_space<hbm>>
      %dma_start3A_62 = tpu.memref_slice %arg5[%mul3A_60] : memref<6815744xf32, #tpu.memory_space<hbm>> -> memref<8192xf32, #tpu.memory_space<hbm>>
      tpu.enqueue_dma source(%arg11 : memref<8192xf32, #tpu.memory_space<vmem>>) target(%dma_start3A_62 : memref<8192xf32, #tpu.memory_space<hbm>>) target_semaphore(%arg15 : memref<!tpu.dma_semaphore, #tpu.memory_space<semaphore_mem>>)
      %dma_wait3A_63 = tpu.memref_slice %arg5[%mul3A_47] : memref<6815744xf32, #tpu.memory_space<hbm>> -> memref<8192xf32, #tpu.memory_space<hbm>>
      %dma_wait3A_64 = tpu.memref_slice %arg5[%mul3A_47] : memref<6815744xf32, #tpu.memory_space<hbm>> -> memref<8192xf32, #tpu.memory_space<hbm>>
      tpu.wait_dma2 semaphore(%arg14 : memref<!tpu.dma_semaphore, #tpu.memory_space<semaphore_mem>>) src(%arg10 : memref<8192xf32, #tpu.memory_space<vmem>>) dst(%dma_wait3A_64 : memref<8192xf32, #tpu.memory_space<hbm>>)
      %dma_wait3A_65 = tpu.memref_slice %arg5[%mul3A_60] : memref<6815744xf32, #tpu.memory_space<hbm>> -> memref<8192xf32, #tpu.memory_space<hbm>>
      %dma_wait3A_66 = tpu.memref_slice %arg5[%mul3A_60] : memref<6815744xf32, #tpu.memory_space<hbm>> -> memref<8192xf32, #tpu.memory_space<hbm>>
      tpu.wait_dma2 semaphore(%arg15 : memref<!tpu.dma_semaphore, #tpu.memory_space<semaphore_mem>>) src(%arg11 : memref<8192xf32, #tpu.memory_space<vmem>>) dst(%dma_wait3A_66 : memref<8192xf32, #tpu.memory_space<hbm>>)
    }
    %scan3A_13 = arith.constant 13 : i32
    return
  }
}

module attributes {stable_mosaic.version = 14 : i64} {
  func.func @body(%arg0: i32, %arg1: memref<2048x416xf32, #tpu.memory_space<vmem>>, %arg2: memref<416x1xf32, #tpu.memory_space<vmem>>, %arg3: memref<416x16xf32, #tpu.memory_space<vmem>>, %arg4: memref<2048x16xf32, #tpu.memory_space<vmem>>) attributes {dimension_semantics = [#tpu.dimension_semantics<arbitrary>], iteration_bounds = array<i64: 8>, scalar_prefetch = 0 : i64, scratch_operands = 0 : i64, tpu.core_type = #tpu.core_type<tc>, window_params = [{transform_indices = @transform_0, window_bounds = array<i64: 2048, 416>}, {pipeline_mode = #tpu.pipeline_mode<synchronous>, transform_indices = @transform_1, window_bounds = array<i64: 416, 1>}, {pipeline_mode = #tpu.pipeline_mode<synchronous>, transform_indices = @transform_2, window_bounds = array<i64: 416, 16>}, {transform_indices = @transform_3, window_bounds = array<i64: 2048, 16>}]} {
    %get3A = arith.constant 0 : index
    %get3A_0 = arith.constant 0 : index
    %get3A_1 = vector.load %arg3[%get3A, %get3A_0] : memref<416x16xf32, #tpu.memory_space<vmem>>, vector<416x16xf32>
    %get3A_2 = arith.constant 0 : index
    %get3A_3 = arith.constant 0 : index
    %get3A_4 = vector.load %arg2[%get3A_2, %get3A_3] : memref<416x1xf32, #tpu.memory_space<vmem>>, vector<416x1xf32>
    %mul3A = vector.broadcast %get3A_4 : vector<416x1xf32> to vector<416x16xf32>
    %mul3A_5 = arith.mulf %get3A_1, %mul3A : vector<416x16xf32>
    %get3A_6 = arith.constant 0 : index
    %get3A_7 = arith.constant 0 : index
    %get3A_8 = vector.load %arg1[%get3A_6, %get3A_7] : memref<2048x416xf32, #tpu.memory_space<vmem>>, vector<2048x416xf32>
    %dot_general3A = arith.constant dense<0.000000e+00> : vector<2048x16xf32>
    %dot_general3A_9 = tpu.matmul %get3A_8, %mul3A_5, %dot_general3A {dimension_numbers = #tpu.dot_dimension_numbers<[1], [0], [0], [1], [0, 0, 1, 1], [], []>, transpose_lhs_hint = false} : vector<2048x416xf32>, vector<416x16xf32>, vector<2048x16xf32> -> vector<2048x16xf32>
    %swap3A = arith.constant 0 : index
    %swap3A_10 = arith.constant 0 : index
    %swap3A_11 = vector.load %arg4[%swap3A, %swap3A_10] : memref<2048x16xf32, #tpu.memory_space<vmem>>, vector<2048x16xf32>
    tpu.vector_store %arg4[%swap3A, %swap3A_10], %dot_general3A_9 {strides = array<i32>} : memref<2048x16xf32, #tpu.memory_space<vmem>>, vector<2048x16xf32>,
    return
  }
  func.func @transform_0(%arg0: i32) -> (i32, i32) {
    %c0_i32 = arith.constant 0 : i32
    %c0_i32_0 = arith.constant 0 : i32
    return %arg0, %c0_i32 : i32, i32
  }
  func.func @transform_1(%arg0: i32) -> (i32, i32) {
    %c0_i32 = arith.constant 0 : i32
    %c0_i32_0 = arith.constant 0 : i32
    %c0_i32_1 = arith.constant 0 : i32
    return %c0_i32, %c0_i32_0 : i32, i32
  }
  func.func @transform_2(%arg0: i32) -> (i32, i32) {
    %c0_i32 = arith.constant 0 : i32
    %c0_i32_0 = arith.constant 0 : i32
    %c0_i32_1 = arith.constant 0 : i32
    return %c0_i32, %c0_i32_0 : i32, i32
  }
  func.func @transform_3(%arg0: i32) -> (i32, i32) {
    %c0_i32 = arith.constant 0 : i32
    %c0_i32_0 = arith.constant 0 : i32
    return %arg0, %c0_i32 : i32, i32
  }
}

</mosaic_0001>

<sc_bundles>
// kernel: kernel.4.cloned.1.call-start
scs
__scs_entry_jumppad:
0x0: {  	(pc) =	sbr.rel $0x88, $3  }
0x1: {  	(tag) =	ssettag $0x0;
	lr =	simm.s32 $0x1  }
0x2: {  	[smem:$0x3F9D] =	sst lr;
	_ =	strace $0xD0000000  }
0x3: {  	_ = 	snop  }
0x4: {  	_ = 	snop  }
0x5: {  	_ = 	snop  }
0x6: {  	_ = 	snop  }
0x7: {  	_ = 	snop  }
__scs_overlays_trampoline_lowered:
0x8: {  	[smem:$0x3FAC] =	sst s0  }
0x9: {  	[smem:$0x3FAD] =	sst s1  }
0xa: {  	[smem:$0x3FAE] =	sst s2  }
0xb: {  	[smem:$0x3FAF] =	sst s3  }
0xc: {  	[smem:$0x3FB0] =	sst s4  }
0xd: {  	[smem:$0x3FB1] =	sst s5  }
0xe: {  	[smem:$0x3FB2] =	sst s6  }
0xf: {  	[smem:$0x3FB3] =	sst s7  }
0x10: {  	[smem:$0x3FB4] =	sst s8  }
0x11: {  	[smem:$0x3FB5] =	sst s9;
	s0 =	simm.s32 @!p0 $0x0  }
0x12: {  	s1 =	sld [smem:$0x3F9B];
	s0 =	simm.s32 @p0 $0x1  }
0x13: {  	[smem:$0x3FB6] =	sst s0;
	s0 =	simm.s32 @!p1 $0x0  }
0x14: {  	s2 =	sld [smem:$0x3F9A];
	s0 =	simm.s32 @p1 $0x1  }
0x15: {  	[smem:$0x3FB7] =	sst s0;
	s0 =	simm.s32 @!p2 $0x0  }
0x16: {  	s3 =	sld [smem:$0x3FDB];
	s0 =	simm.s32 @p2 $0x1  }
0x17: {  	s4 =	simm.s32 $0x1BF5;
	[smem:$0x3FB9] =	sst s0  }
0x18: {  	s0 =	sld [smem:$0x3F9C];
	_ =	swait.ge [sflag:s4], $0x0  }
0x19: {  	s7 =	sld [smem:$0x3F9D]  }
0x1a: {  	s8 =	sadd.s32 $0xFFFFE003, lr  }
0x1b: {  	s9 =	sadd.s32 $0xFFFFFEF7, lr;
	s5 =	simm.s32 $0xFFFFFFFF;
	p2 =	slt.u32 s8, $0xFFFFF086  }
0x1c: {  	p1 =	slt.u32 s9, $0xF7A;
	s5 =	simm.s32 @!p2 $0x0  }
0x1d: {  	s5 =	simm.s32 @p1 $0x1;
	p0 =	seq.s32 s7, s2  }
0x1e: {  	s7 =	smul.u32 @!p0 $0xF7A, s2;
	p2 =	seq.s32 @!p0 s5, $0x0  }
0x1f: {  	s9 =	smul.u32 $0xF7A, s1;
	s8 =	simm.s32 @!p0 $0x1BF5;
	p2 =	por !p2, p0  }
0x20: {  	[sflag:s8] =	ssyncset.s32 @!p0 $0xFFFFF086;
	s6 =	sadd.s32 @!p0 s3, s7;
	s7 =	simm.s32 @!p0 $0x108  }
0x21: {  	s3 =	sadd.s32 s3, s9;
	s6 =	sadd.s32 @!p0 $0x88, s6;
	s7 =	simm.s32 @p2 $0x1082  }
0x22: {  	[simem:s7], [sflag:s8] =	dma.local @!p0 [hbm:s6], $0xF7A  }
0x23: {  	s9 =	sor.u32 $0xD0000000, s2;
	s6 =	simm.s32 $0x108;
	_ =	swait.ge @!p0 [sflag:s8], $0x0  }
0x24: {  	s3 =	sadd.s32 $0x88, s3;
	s6 =	simm.s32 @!p1 $0x1082;
	[sflag:s4] =	ssyncset.s32 $0xFFFFF086  }
0x25: {  	[simem:s6], [sflag:s4] =	dma.local [hbm:s3], $0xF7A  }
0x26: {  	[smem:$0x3F9D] =	sst s1;
	(tag) =	ssettag s2;
	_ =	strace s9  }
0x27: {  	s1 =	sld [smem:$0x3FAD]  }
0x28: {  	s2 =	sld [smem:$0x3FAE]  }
0x29: {  	s4 =	sld [smem:$0x3FB0]  }
0x2a: {  	p0 =	seq.s32 s5, $0x0;
	s5 =	sld [smem:$0x3FB1]  }
0x2b: {  	s6 =	sld [smem:$0x3FB2]  }
0x2c: {  	s7 =	sld [smem:$0x3FB3]  }
0x2d: {  	s3 =	simm.s32 $0x108;
	s8 =	sld [smem:$0x3FB4]  }
0x2e: {  	s3 =	simm.s32 @!p0 $0x1082;
	s9 =	sld [smem:$0x3FB5]  }
0x2f: {  	lr =	sadd.s32 s0, s3;
	s0 =	sld [smem:$0x3FAC]  }
0x30: {  	s3 =	sld [smem:$0x3FAF]  }
0x31: {  	[smem:$0x3FB8] =	sst s10  }
0x32: {  	s10 =	sld [smem:$0x3FB6];
	_ =	sdelay $0x3  }
0x33: {  	p0 =	seq.s32 s10, $0x1;
	s10 =	sld [smem:$0x3FB8];
	_ =	sdelay $0x3  }
0x34: {  	[smem:$0x3FB8] =	sst s10  }
0x35: {  	s10 =	sld [smem:$0x3FB7];
	_ =	sdelay $0x3  }
0x36: {  	p1 =	seq.s32 s10, $0x1;
	s10 =	sld [smem:$0x3FB8];
	_ =	sdelay $0x3  }
0x37: {  	[smem:$0x3FB8] =	sst s10  }
0x38: {  	s10 =	sld [smem:$0x3FB9]  }
0x39: {  	_ = 	snop;
	(pc) =	sbr.ind lr, $3  }
0x3a: {  	_ = 	snop  }
0x3b: {  	_ = 	snop  }
0x3c: {  	p2 =	seq.s32 s10, $0x1;
	s10 =	sld [smem:$0x3FB8]  }
0x3d: {  	_ =	shalt  }
0x3e: {  	_ =	shalt  }
0x3f: {  	_ =	shalt  }
0x40: {  	_ =	shalt  }
0x41: {  	_ =	shalt  }
0x42: {  	_ =	shalt  }
0x43: {  	_ =	shalt  }
0x44: {  	_ =	shalt  }
0x45: {  	_ =	shalt  }
0x46: {  	_ =	shalt  }
0x47: {  	_ =	shalt  }
0x48: {  	_ =	shalt  }
0x49: {  	_ =	shalt  }
0x4a: {  	_ =	shalt  }
0x4b: {  	_ =	shalt  }
0x4c: {  	_ =	shalt  }
0x4d: {  	_ =	shalt  }
0x4e: {  	_ =	shalt  }
0x4f: {  	_ =	shalt  }
0x50: {  	_ =	shalt  }
0x51: {  	_ =	shalt  }
0x52: {  	_ =	shalt  }
0x53: {  	_ =	shalt  }
0x54: {  	_ =	shalt  }
0x55: {  	_ =	shalt  }
0x56: {  	_ =	shalt  }
0x57: {  	_ =	shalt  }
0x58: {  	_ =	shalt  }
0x59: {  	_ =	shalt  }
0x5a: {  	_ =	shalt  }
0x5b: {  	_ =	shalt  }
0x5c: {  	_ =	shalt  }
0x5d: {  	_ =	shalt  }
0x5e: {  	_ =	shalt  }
0x5f: {  	_ =	shalt  }
0x60: {  	_ =	shalt  }
0x61: {  	_ =	shalt  }
0x62: {  	_ =	shalt  }
0x63: {  	_ =	shalt  }
0x64: {  	_ =	shalt  }
0x65: {  	_ =	shalt  }
0x66: {  	_ =	shalt  }
0x67: {  	_ =	shalt  }
0x68: {  	_ =	shalt  }
0x69: {  	_ =	shalt  }
0x6a: {  	_ =	shalt  }
0x6b: {  	_ =	shalt  }
0x6c: {  	_ =	shalt  }
0x6d: {  	_ =	shalt  }
0x6e: {  	_ =	shalt  }
0x6f: {  	_ =	shalt  }
0x70: {  	_ =	shalt  }
0x71: {  	_ =	shalt  }
0x72: {  	_ =	shalt  }
0x73: {  	_ =	shalt  }
0x74: {  	_ =	shalt  }
0x75: {  	_ =	shalt  }
0x76: {  	_ =	shalt  }
0x77: {  	_ =	shalt  }
0x78: {  	_ =	shalt  }
0x79: {  	_ =	shalt  }
0x7a: {  	_ =	shalt  }
0x7b: {  	_ =	shalt  }
0x7c: {  	_ =	shalt  }
0x7d: {  	_ =	shalt  }
0x7e: {  	_ =	shalt  }
0x7f: {  	_ =	shalt  }
0x80: {  	_ =	shalt  }
0x81: {  	_ =	shalt  }
0x82: {  	_ =	shalt  }
0x83: {  	_ =	shalt  }
0x84: {  	_ =	shalt  }
0x85: {  	_ =	shalt  }
0x86: {  	_ =	shalt  }
0x87: {  	_ =	shalt  }
.Lfunc_end0:
.L_simem_size_0:
called_computation_lowered:
.L_overlay_start_0:
0x88: {  	s2 =	sld [smem:$0x3FD9]  }
0x89: {  	s3 =	sld [smem:$0x3FFE];
	_ =	sdelay $0x1  }
0x8a: {  	s1 =	srdreg.scid  }
0x8b: {  	s0 =	sand.u32 $0x1, s1  }
0x8c: {  	s17 =	sshll.u32 s0, $0xA;
	s2 =	sadd.s32 s3, s2  }
0x8d: {  	s2 =	sadd.s32 s2, s17  }
0x8e: {  	[smem:$0x3FC4] =	sst s2  }
0x8f: {  	_ = 	snop  }
0x90: {  	s2 =	sld [smem:$0x3FD0];
	(tm) =	ssettm $0x1  }
0x91: {  	s18 =	sld [smem:$0x3FFB];
	_ =	sdelay $0x3  }
0x92: {  	_ =	strace s18  }
0x93: {  	s3 =	sld [smem:$0x3FFC];
	_ =	sdelay $0x3  }
0x94: {  	_ =	strace s3  }
0x95: {  	s3 =	sld [smem:$0x3FFD];
	_ =	sdelay $0x3  }
0x96: {  	_ =	strace s3  }
0x97: {  	_ =	strace $0x8FFFFFFF  }
0x98: {  	s19 =	sld [smem:$0x3FDB];
	_ =	sdelay $0x1  }
0x99: {  	s4 =	simm.s32 $_scs_section_size  }
0x9a: {  	s5 =	simm.s32 $_size__tile_overlayer_lowered;
	s6 =	simm.s32 $_tile_overlayer_lowered  }
0x9b: {  	s22 =	simm.s32 $0x1BFF;
	s21 =	sshll.u32 s6, $0x1;
	s3 =	sadd.s32 s4, s19  }
0x9c: {  	s7 =	simm.s32 $0x0;
	s20 =	sshll.u32 s5, $0x1;
	s5 =	sadd.s32 s21, s3  }
0x9d: {  	[timem:s7], [sflag:s22] =	dma.local [hbm:s5], s20  }
0x9e: {  	_ =	swait.ge [sflag:s22], s20  }
0x9f: {  	s4 =	ssub.s32 $0x0, s20;
	[sflag:s22] =	ssyncset.done $0x0  }
0xa0: {  	[sflag:s22] =	ssyncadd.s32 s4;
	_ =	sdelay $0x1  }
0xa1: {  	s23 =	simm.s32 $0x1B8B  }
0xa2: {  	_ =	swait.ge [sflag:s23], $0x1  }
0xa3: {  	[sflag:s23] =	ssyncset.done $0x0  }
0xa4: {  	s25 =	simm.s32 $0x1B8E;
	s24 =	sld [smem:$0x3FFE];
	[sflag:s23] =	ssyncadd.s32 $0xFFFFFFFF  }
0xa5: {  	s26 =	simm.s32 $execute0_lowered;
	[smem:$0x3FD2] =	sst s25  }
0xa6: {  	s5 =	sshll.u32 s26, $0x1;
	_ =	strace $0x80000046;
	[dreg:$0x1] =	wrdreg $0xFFFFFFFF  }
0xa7: {  	s28 =	simm.s32 $_size_execute0_lowered;
	s3 =	sadd.s32 s3, s5;
	[dreg:$0x0] =	wrdreg $0x0  }
0xa8: {  	s5 =	sshll.u32 s28, $0x1;
	[dreg:$0x2] =	wrdreg s3  }
0xa9: {  	[dreg:$0x3] =	wrdreg s5  }
0xaa: {  	[dreg:$0x4] =	wrdreg $0xC0  }
0xab: {  	_ =	task [dreg:s7], $0x5FFFF  }
0xac: {  	[dreg:$0x1] =	wrdreg $0xFFFFFFFF  }
0xad: {  	[dreg:$0x0] =	wrdreg $0x60  }
0xae: {  	[dreg:$0x2] =	wrdreg s24  }
0xaf: {  	[dreg:$0x3] =	wrdreg s2  }
0xb0: {  	[dreg:$0x4] =	wrdreg $0x9  }
0xb1: {  	_ =	task.clear_ibuf [dreg:s7], $0x5FFFF;
	_ =	strace $0x90000046  }
0xb2: {  	s29 =	simm.s32 $0x9;
	_ =	strace $0x80000048  }
0xb3: {  	_ =	swait.ge [sflag:s29], $0x1  }
0xb4: {  	[sflag:s29] =	ssyncadd.s32 $0xFFFFFFFF  }
0xb5: {  	_ =	strace $0x90000048  }
0xb6: {  	_ =	sfence  }
0xb7: {  	s30 =	sld [smem:$0x0];
	_ =	sdelay $0x2  }
0xb8: {  	s31 =	sshll.u32 s1, $0xD;
	s1 =	sshrl.u32 s1, $0x2  }
0xb9: {  	s3 =	sand.u32 $0x4000, s31;
	s1 =	sadd.s32 s1, s30  }
0xba: {  	s0 =	sor.u32 s3, s0;
	s1 =	sshll.u32 s1, $0x11  }
0xbb: {  	s0 =	sor.u32 s1, s0  }
0xbc: {  	s0 =	sadd.s32 $0x8F2B, s0  }
0xbd: {  	[sflag:s0] =	ssyncadd.remote.s32 $0x1  }
0xbe: {  	_ =	sfence.sel $0xFFFF  }
0xbf: {  	[dreg:$0x0] =	wrdreg $0xFFFFFFFF;
	(pc) =	sbr.abs _section_cstart, $3  }
0xc0: {  	[dreg:$0x1] =	wrdreg $0xFFFFFFFF  }
0xc1: {  	_ =	task.clear_ibuf [dreg:s7], $0x2FFFF;
	_ =	strace $0x9FFFFFFF  }
0xc2: {  	(tm) =	ssettm $0x7FFFFFFF  }
0xc3: {  	_ =	shalt  }
tec
execute0_lowered:
.L_overlay_start_1:
0x0: {  	(tag) =	ssettag $0x1  }
0x1: {  	s1 =	srdreg.scid  }
0x2: {  	s0 =	stileid.u32;
	s5 =	rddreg [dreg:$0x0]  }
0x3: {  	s2 =	rddreg [dreg:$0x1];
	s3 =	simm.s32 $0x0;
	s10 =	simm.s32 $0x3400  }
0x4: {  	s11 =	simm.s32 $0x6800;
	s12 =	simm.s32 $0x2000;
	s13 =	simm.s32 $0xA800  }
0x5: {  	s14 =	simm.s32 $0x8800;
	s15 =	simm.s32 $0xC800;
	s16 =	simm.s32 $0x1  }
0x6: {  	s17 =	simm.s32 $0x2;
	s18 =	simm.s32 $0x3;
	s19 =	simm.s32 $0x4  }
0x7: {  	s4 =	sand.u32 $0x1, s1;
	s31 =	sshll.u32 s0, $0x1;
	s1 =	rddreg [dreg:$0x2]  }
0x8: {  	s20 =	simm.s32 $0x0;
	[smem:$0x7FF] =	sst s3;
	s7 =	sor.u32 s4, s31  }
0x9: {  	s8 =	ssub.s32 $0x2, s4;
	_ =	strace $0x80000047;
	s6 =	smul.u32 $0x680, s7  }
0xa: {  	s4 =	sadd.s32 $0xA00, s5;
	s9 =	sshrl.u32 s8, $0x1;
	s7 =	smul.u32 $0x34000, s7  }
0xb: {  	v0 =	vlaneseq.u32;
	s8 =	ssub.s32 s8, s9;
	s9 =	simm.s32 $0x5;
	s6 =	sadd.s32 s6, s5  }
0xc: {  	v0 =	vmul.u32 $0x10, v0;
	s5 =	sadd.s32 $0x503400, s5;
	s8 =	smax.u32 s8, $0x1;
	s6 =	sadd.s32 $0x4F6400, s6  }
.LBB2_1:
0xd: {  	[tilespmem:s3], [sflag:$0x5] =	stream.linear.gather [hbm4b:s6+s3], $0x3400, $0x38;
	[tilespmem:$0xE800] =	vst v63  }
0xe: {  	_ =	swait.ge [sflag:s9], $0x3400  }
0xf: {  	[sflag:s9] =	ssyncset.done $0x0  }
0x10: {  	[sflag:s9] =	ssyncadd.s32 $0xFFFFCC00  }
0x11: {  	[tilespmem:s10], [sflag:$0x5] =	stream.linear.gather [hbm4b:s2+s3], $0x3400, $0x38;
	[tilespmem:$0xE800] =	vst v63  }
0x12: {  	_ =	swait.ge [sflag:s9], $0x3400  }
0x13: {  	[sflag:s9] =	ssyncset.done $0x0  }
0x14: {  	s22 =	simm.s32 $0x0;
	[sflag:s9] =	ssyncadd.s32 $0xFFFFCC00  }
0x15: {  	s21 =	simm.s32 $0x40;
	v1 =	vld [tilespmem:s22+$0x3400]  }
.LBB2_2:
0x16: {  	p0 =	sne.s32 s21, $0xCFC0;
	v2 =	vld [tilespmem:s22+$0x0];
	_ =	sdelay $0x1  }
.Ltmp0:
0x17: {  	(pc) =	sbr.rel @p0 .LBB2_2-.Ltmp0, $3  }
0x18: {  	_ =	sdelay $0x1  }
0x19: {  	s23 =	sshra.s32 s21, $0x2;
	v2 =	vadd.s32 v2, v1  }
0x1a: {  	s21 =	sadd.s32 $0x40, s21;
	v1 =	vld [tilespmem:s23+$0x3400];
	[tilespmem:s22+$0x0] =	vst v2;
	s22 =	smov.u32 s23  }
0x1b: {  	v2 =	vld [tilespmem:s22+$0x0];
	_ =	sdelay $0x4  }
0x1c: {  	s21 =	simm.s32 $0x0;
	v1 =	vadd.s32 v2, v1  }
0x1d: {  	s23 =	simm.s32 $0x0;
	s24 =	simm.s32 $0x0;
	[tilespmem:s22+$0x0] =	vst v1;
	s22 =	simm.s32 $0x200  }
.LBB2_4:
0x1e: {  	v1 =	vmov s21  }
0x1f: {  	v1 =	vshll.u32 v1, $0x4  }
0x20: {  	v3 =	vld [tilespmem:s23+$0x0];
	v1 =	vor.u32 v0, v1  }
0x21: {  	v2 =	vor.u32 $0x1, v1  }
0x22: {  	v4 =	vor.u32 $0x2, v1  }
0x23: {  	v5 =	vor.u32 $0x3, v1  }
0x24: {  	v6 =	vor.u32 $0x4, v1  }
0x25: {  	v8 =	vor.u32 $0x5, v1;
	v7 =	vadd.s32 $0x186A0, v3;
	[tilespmem:v1+s11+$0x0] =	vst.idx.msk $0xffff, v3  }
0x26: {  	v59 =	vor.u32 $0x6, v1;
	[tilespmem:v2+s11+$0x0] =	vst.idx.msk $0xffff, v7;
	v2 =	vadd.s32 $0x30D40, v3  }
0x27: {  	[tilespmem:v4+s11+$0x0] =	vst.idx.msk $0xffff, v2;
	v2 =	vadd.s32 $0x493E0, v3;
	v4 =	vor.u32 $0x7, v1  }
0x28: {  	[tilespmem:v5+s11+$0x0] =	vst.idx.msk $0xffff, v2;
	v2 =	vadd.s32 $0x61A80, v3;
	v5 =	vor.u32 $0x8, v1  }
0x29: {  	v60 =	vor.u32 $0x9, v1;
	[tilespmem:v6+s11+$0x0] =	vst.idx.msk $0xffff, v2;
	v2 =	vadd.s32 $0x7A120, v3  }
0x2a: {  	v61 =	vor.u32 $0xA, v1;
	[tilespmem:v8+s11+$0x0] =	vst.idx.msk $0xffff, v2;
	v2 =	vadd.s32 $0x927C0, v3  }
0x2b: {  	v62 =	vor.u32 $0xB, v1;
	[tilespmem:v59+s11+$0x0] =	vst.idx.msk $0xffff, v2;
	v2 =	vadd.s32 $0xAAE60, v3  }
0x2c: {  	[tilespmem:v4+s11+$0x0] =	vst.idx.msk $0xffff, v2;
	v2 =	vadd.s32 $0xC3500, v3;
	v4 =	vor.u32 $0xC, v1  }
0x2d: {  	[tilespmem:v5+s11+$0x0] =	vst.idx.msk $0xffff, v2;
	v2 =	vadd.s32 $0xDBBA0, v3;
	v5 =	vor.u32 $0xD, v1  }
0x2e: {  	v63 =	vor.u32 $0xE, v1;
	[tilespmem:v60+s11+$0x0] =	vst.idx.msk $0xffff, v2;
	v2 =	vadd.s32 $0xF4240, v3  }
0x2f: {  	[tilespmem:v61+s11+$0x0] =	vst.idx.msk $0xffff, v2;
	v2 =	vadd.s32 $0x10C8E0, v3  }
0x30: {  	v1 =	vor.u32 $0xF, v1;
	[tilespmem:v62+s11+$0x0] =	vst.idx.msk $0xffff, v2;
	v2 =	vadd.s32 $0x124F80, v3  }
0x31: {  	[tilespmem:v4+s11+$0x0] =	vst.idx.msk $0xffff, v2;
	v2 =	vadd.s32 $0x13D620, v3  }
0x32: {  	s26 =	simm.s32 $0x10;
	v4 =	vadd.s32 $0x155CC0, v3;
	[tilespmem:v5+s11+$0x0] =	vst.idx.msk $0xffff, v2  }
0x33: {  	s25 =	simm.s32 $0x20;
	v3 =	vadd.s32 $0x16E360, v3;
	v2 =	vmov s26;
	s26 =	smov.u32 s23;
	[tilespmem:v63+s11+$0x0] =	vst.idx.msk $0xffff, v4  }
.LBB2_5:
0x34: {  	p0 =	sne.s32 s25, $0x1F0  }
0x35: {  	v2 =	vshll.u32 v2, $0x4;
	[tilespmem:v1+s11+$0x0] =	vst.idx.msk $0xffff, v3;
	s26 =	sadd.s32 $0x10, s26;
	s28 =	smov.u32 s25;
	s25 =	sadd.s32 $0x10, s25  }
0x36: {  	v3 =	vld [tilespmem:s26+$0x0];
	v1 =	vor.u32 v0, v2  }
0x37: {  	v2 =	vor.u32 $0x1, v1  }
0x38: {  	v4 =	vor.u32 $0x2, v1  }
0x39: {  	v5 =	vor.u32 $0x3, v1  }
0x3a: {  	v6 =	vor.u32 $0x4, v1  }
0x3b: {  	v8 =	vor.u32 $0x5, v1;
	[tilespmem:v1+s11+$0x0] =	vst.idx.msk $0xffff, v3;
	v7 =	vadd.s32 $0x186A0, v3  }
0x3c: {  	[tilespmem:v2+s11+$0x0] =	vst.idx.msk $0xffff, v7;
	v2 =	vadd.s32 $0x30D40, v3;
	v7 =	vor.u32 $0x6, v1  }
0x3d: {  	[tilespmem:v4+s11+$0x0] =	vst.idx.msk $0xffff, v2;
	v2 =	vadd.s32 $0x493E0, v3;
	v4 =	vor.u32 $0x7, v1  }
0x3e: {  	[tilespmem:v5+s11+$0x0] =	vst.idx.msk $0xffff, v2;
	v2 =	vadd.s32 $0x61A80, v3;
	v5 =	vor.u32 $0x8, v1  }
0x3f: {  	[tilespmem:v6+s11+$0x0] =	vst.idx.msk $0xffff, v2;
	v2 =	vadd.s32 $0x7A120, v3;
	v6 =	vor.u32 $0x9, v1  }
0x40: {  	[tilespmem:v8+s11+$0x0] =	vst.idx.msk $0xffff, v2;
	v2 =	vadd.s32 $0x927C0, v3;
	v8 =	vor.u32 $0xA, v1  }
0x41: {  	[tilespmem:v7+s11+$0x0] =	vst.idx.msk $0xffff, v2;
	v2 =	vadd.s32 $0xAAE60, v3;
	v7 =	vor.u32 $0xB, v1  }
0x42: {  	[tilespmem:v4+s11+$0x0] =	vst.idx.msk $0xffff, v2;
	v2 =	vadd.s32 $0xC3500, v3;
	v4 =	vor.u32 $0xC, v1  }
0x43: {  	[tilespmem:v5+s11+$0x0] =	vst.idx.msk $0xffff, v2;
	v2 =	vadd.s32 $0xDBBA0, v3;
	v5 =	vor.u32 $0xD, v1  }
0x44: {  	[tilespmem:v6+s11+$0x0] =	vst.idx.msk $0xffff, v2;
	v2 =	vadd.s32 $0xF4240, v3;
	v6 =	vor.u32 $0xE, v1  }
.Ltmp1:
0x45: {  	v1 =	vor.u32 $0xF, v1;
	[tilespmem:v8+s11+$0x0] =	vst.idx.msk $0xffff, v2;
	v2 =	vadd.s32 $0x10C8E0, v3;
	(pc) =	sbr.rel @p0 .LBB2_5-.Ltmp1, $4  }
0x46: {  	[tilespmem:v7+s11+$0x0] =	vst.idx.msk $0xffff, v2;
	v2 =	vadd.s32 $0x124F80, v3  }
0x47: {  	[tilespmem:v4+s11+$0x0] =	vst.idx.msk $0xffff, v2;
	v2 =	vadd.s32 $0x13D620, v3  }
0x48: {  	v4 =	vadd.s32 $0x155CC0, v3;
	[tilespmem:v5+s11+$0x0] =	vst.idx.msk $0xffff, v2  }
0x49: {  	v3 =	vadd.s32 $0x16E360, v3;
	v2 =	vmov s28;
	[tilespmem:v6+s11+$0x0] =	vst.idx.msk $0xffff, v4  }
0x4a: {  	_ =	sdelay $0x3  }
0x4b: {  	v2 =	vshll.u32 v2, $0x4;
	[tilespmem:v1+s11+$0x0] =	vst.idx.msk $0xffff, v3;
	s25 =	sadd.s32 $0x10, s26  }
0x4c: {  	v1 =	vld [tilespmem:s25+$0x0];
	v2 =	vor.u32 v0, v2  }
0x4d: {  	v3 =	vor.u32 $0x1, v2  }
0x4e: {  	v4 =	vor.u32 $0x2, v2  }
0x4f: {  	v5 =	vor.u32 $0x3, v2  }
0x50: {  	v6 =	vor.u32 $0x4, v2  }
0x51: {  	v8 =	vor.u32 $0x5, v2;
	[tilespmem:v2+s11+$0x0] =	vst.idx.msk $0xffff, v1;
	v7 =	vadd.s32 $0x186A0, v1  }
0x52: {  	v51 =	vor.u32 $0x6, v2;
	[tilespmem:v3+s11+$0x0] =	vst.idx.msk $0xffff, v7;
	v3 =	vadd.s32 $0x30D40, v1  }
0x53: {  	[tilespmem:v4+s11+$0x0] =	vst.idx.msk $0xffff, v3;
	v3 =	vadd.s32 $0x493E0, v1;
	v4 =	vor.u32 $0x7, v2  }
0x54: {  	[tilespmem:v5+s11+$0x0] =	vst.idx.msk $0xffff, v3;
	v3 =	vadd.s32 $0x61A80, v1;
	v5 =	vor.u32 $0x8, v2  }
0x55: {  	v52 =	vor.u32 $0x9, v2;
	[tilespmem:v6+s11+$0x0] =	vst.idx.msk $0xffff, v3;
	v3 =	vadd.s32 $0x7A120, v1  }
0x56: {  	v53 =	vor.u32 $0xA, v2;
	[tilespmem:v8+s11+$0x0] =	vst.idx.msk $0xffff, v3;
	v3 =	vadd.s32 $0x927C0, v1  }
0x57: {  	v54 =	vor.u32 $0xB, v2;
	[tilespmem:v51+s11+$0x0] =	vst.idx.msk $0xffff, v3;
	v3 =	vadd.s32 $0xAAE60, v1  }
0x58: {  	[tilespmem:v4+s11+$0x0] =	vst.idx.msk $0xffff, v3;
	v3 =	vadd.s32 $0xC3500, v1;
	v4 =	vor.u32 $0xC, v2  }
0x59: {  	[tilespmem:v5+s11+$0x0] =	vst.idx.msk $0xffff, v3;
	v3 =	vadd.s32 $0xDBBA0, v1;
	v5 =	vor.u32 $0xD, v2  }
0x5a: {  	v55 =	vor.u32 $0xE, v2;
	[tilespmem:v52+s11+$0x0] =	vst.idx.msk $0xffff, v3;
	v3 =	vadd.s32 $0xF4240, v1  }
0x5b: {  	v2 =	vor.u32 $0xF, v2;
	[tilespmem:v53+s11+$0x0] =	vst.idx.msk $0xffff, v3;
	v3 =	vadd.s32 $0x10C8E0, v1  }
0x5c: {  	[tilespmem:v54+s11+$0x0] =	vst.idx.msk $0xffff, v3;
	v3 =	vadd.s32 $0x124F80, v1  }
0x5d: {  	[tilespmem:v4+s11+$0x0] =	vst.idx.msk $0xffff, v3;
	v3 =	vadd.s32 $0x13D620, v1  }
0x5e: {  	[tilespmem:v5+s11+$0x0] =	vst.idx.msk $0xffff, v3;
	v3 =	vadd.s32 $0x155CC0, v1  }
0x5f: {  	s31 =	simm.s32 $0x0;
	v1 =	vadd.s32 $0x16E360, v1;
	[tilespmem:v55+s11+$0x0] =	vst.idx.msk $0xffff, v3  }
0x60: {  	[tilespmem:v2+s11+$0x0] =	vst.idx.msk $0xffff, v1;
	v1 =	vmov s31  }
0x61: {  	[tilespmem:s13], [sflag:$0x1] =	stream.indirect.gather [hbm4b:s4+s12], $0x1, s11, s12, $0xb8;
	v1 =	vshll.u32 v1, $0x4;
	[tilespmem:$0xE800] =	vst v63  }
0x62: {  	v3 =	vld [tilespmem:s22+$0x0];
	v1 =	vor.u32 v0, v1  }
0x63: {  	v2 =	vor.u32 $0x1, v1  }
0x64: {  	v4 =	vor.u32 $0x2, v1  }
0x65: {  	v5 =	vor.u32 $0x3, v1  }
0x66: {  	v56 =	vor.u32 $0x4, v1  }
0x67: {  	v58 =	vor.u32 $0x5, v1;
	[tilespmem:v1+s14+$0x0] =	vst.idx.msk $0xffff, v3;
	v57 =	vadd.s32 $0x186A0, v3  }
0x68: {  	v59 =	vor.u32 $0x6, v1;
	[tilespmem:v2+s14+$0x0] =	vst.idx.msk $0xffff, v57;
	v2 =	vadd.s32 $0x30D40, v3  }
0x69: {  	[tilespmem:v4+s14+$0x0] =	vst.idx.msk $0xffff, v2;
	v2 =	vadd.s32 $0x493E0, v3;
	v4 =	vor.u32 $0x7, v1  }
0x6a: {  	[tilespmem:v5+s14+$0x0] =	vst.idx.msk $0xffff, v2;
	v2 =	vadd.s32 $0x61A80, v3;
	v5 =	vor.u32 $0x8, v1  }
0x6b: {  	v60 =	vor.u32 $0x9, v1;
	[tilespmem:v56+s14+$0x0] =	vst.idx.msk $0xffff, v2;
	v2 =	vadd.s32 $0x7A120, v3  }
0x6c: {  	v61 =	vor.u32 $0xA, v1;
	[tilespmem:v58+s14+$0x0] =	vst.idx.msk $0xffff, v2;
	v2 =	vadd.s32 $0x927C0, v3  }
0x6d: {  	v62 =	vor.u32 $0xB, v1;
	[tilespmem:v59+s14+$0x0] =	vst.idx.msk $0xffff, v2;
	v2 =	vadd.s32 $0xAAE60, v3  }
0x6e: {  	[tilespmem:v4+s14+$0x0] =	vst.idx.msk $0xffff, v2;
	v2 =	vadd.s32 $0xC3500, v3;
	v4 =	vor.u32 $0xC, v1  }
0x6f: {  	[tilespmem:v5+s14+$0x0] =	vst.idx.msk $0xffff, v2;
	v2 =	vadd.s32 $0xDBBA0, v3;
	v5 =	vor.u32 $0xD, v1  }
0x70: {  	v63 =	vor.u32 $0xE, v1;
	[tilespmem:v60+s14+$0x0] =	vst.idx.msk $0xffff, v2;
	v2 =	vadd.s32 $0xF4240, v3  }
0x71: {  	[tilespmem:v61+s14+$0x0] =	vst.idx.msk $0xffff, v2;
	v2 =	vadd.s32 $0x10C8E0, v3  }
0x72: {  	v1 =	vor.u32 $0xF, v1;
	[tilespmem:v62+s14+$0x0] =	vst.idx.msk $0xffff, v2;
	v2 =	vadd.s32 $0x124F80, v3  }
0x73: {  	[tilespmem:v4+s14+$0x0] =	vst.idx.msk $0xffff, v2;
	v2 =	vadd.s32 $0x13D620, v3  }
0x74: {  	s28 =	simm.s32 $0x10;
	v4 =	vadd.s32 $0x155CC0, v3;
	[tilespmem:v5+s14+$0x0] =	vst.idx.msk $0xffff, v2  }
0x75: {  	s26 =	simm.s32 $0x20;
	s25 =	sshllo.u32 s24, $0x1;
	v3 =	vadd.s32 $0x16E360, v3;
	v2 =	vmov s28;
	s28 =	smov.u32 s22;
	[tilespmem:v63+s14+$0x0] =	vst.idx.msk $0xffff, v4  }
.LBB2_7:
0x76: {  	p0 =	sne.s32 s26, $0x1F0  }
0x77: {  	v2 =	vshll.u32 v2, $0x4;
	[tilespmem:v1+s14+$0x0] =	vst.idx.msk $0xffff, v3;
	s28 =	sadd.s32 $0x10, s28;
	s29 =	smov.u32 s26;
	s26 =	sadd.s32 $0x10, s26  }
0x78: {  	v3 =	vld [tilespmem:s28+$0x0];
	v1 =	vor.u32 v0, v2  }
0x79: {  	v2 =	vor.u32 $0x1, v1  }
0x7a: {  	v4 =	vor.u32 $0x2, v1  }
0x7b: {  	v5 =	vor.u32 $0x3, v1  }
0x7c: {  	v6 =	vor.u32 $0x4, v1  }
0x7d: {  	v8 =	vor.u32 $0x5, v1;
	[tilespmem:v1+s14+$0x0] =	vst.idx.msk $0xffff, v3;
	v7 =	vadd.s32 $0x186A0, v3  }
0x7e: {  	[tilespmem:v2+s14+$0x0] =	vst.idx.msk $0xffff, v7;
	v2 =	vadd.s32 $0x30D40, v3;
	v7 =	vor.u32 $0x6, v1  }
0x7f: {  	[tilespmem:v4+s14+$0x0] =	vst.idx.msk $0xffff, v2;
	v2 =	vadd.s32 $0x493E0, v3;
	v4 =	vor.u32 $0x7, v1  }
0x80: {  	[tilespmem:v5+s14+$0x0] =	vst.idx.msk $0xffff, v2;
	v2 =	vadd.s32 $0x61A80, v3;
	v5 =	vor.u32 $0x8, v1  }
0x81: {  	[tilespmem:v6+s14+$0x0] =	vst.idx.msk $0xffff, v2;
	v2 =	vadd.s32 $0x7A120, v3;
	v6 =	vor.u32 $0x9, v1  }
0x82: {  	[tilespmem:v8+s14+$0x0] =	vst.idx.msk $0xffff, v2;
	v2 =	vadd.s32 $0x927C0, v3;
	v8 =	vor.u32 $0xA, v1  }
0x83: {  	[tilespmem:v7+s14+$0x0] =	vst.idx.msk $0xffff, v2;
	v2 =	vadd.s32 $0xAAE60, v3;
	v7 =	vor.u32 $0xB, v1  }
0x84: {  	[tilespmem:v4+s14+$0x0] =	vst.idx.msk $0xffff, v2;
	v2 =	vadd.s32 $0xC3500, v3;
	v4 =	vor.u32 $0xC, v1  }
0x85: {  	[tilespmem:v5+s14+$0x0] =	vst.idx.msk $0xffff, v2;
	v2 =	vadd.s32 $0xDBBA0, v3;
	v5 =	vor.u32 $0xD, v1  }
0x86: {  	[tilespmem:v6+s14+$0x0] =	vst.idx.msk $0xffff, v2;
	v2 =	vadd.s32 $0xF4240, v3;
	v6 =	vor.u32 $0xE, v1  }
.Ltmp2:
0x87: {  	v1 =	vor.u32 $0xF, v1;
	[tilespmem:v8+s14+$0x0] =	vst.idx.msk $0xffff, v2;
	v2 =	vadd.s32 $0x10C8E0, v3;
	(pc) =	sbr.rel @p0 .LBB2_7-.Ltmp2, $4  }
0x88: {  	[tilespmem:v7+s14+$0x0] =	vst.idx.msk $0xffff, v2;
	v2 =	vadd.s32 $0x124F80, v3  }
0x89: {  	[tilespmem:v4+s14+$0x0] =	vst.idx.msk $0xffff, v2;
	v2 =	vadd.s32 $0x13D620, v3  }
0x8a: {  	v4 =	vadd.s32 $0x155CC0, v3;
	[tilespmem:v5+s14+$0x0] =	vst.idx.msk $0xffff, v2  }
0x8b: {  	v3 =	vadd.s32 $0x16E360, v3;
	v2 =	vmov s29;
	[tilespmem:v6+s14+$0x0] =	vst.idx.msk $0xffff, v4  }
0x8c: {  	_ =	sdelay $0x3  }
0x8d: {  	v2 =	vshll.u32 v2, $0x4;
	[tilespmem:v1+s14+$0x0] =	vst.idx.msk $0xffff, v3;
	s26 =	sadd.s32 $0x10, s28  }
0x8e: {  	v1 =	vld [tilespmem:s26+$0x0];
	v2 =	vor.u32 v0, v2  }
0x8f: {  	v3 =	vor.u32 $0x1, v2  }
0x90: {  	v4 =	vor.u32 $0x2, v2  }
0x91: {  	v5 =	vor.u32 $0x3, v2  }
0x92: {  	v6 =	vor.u32 $0x4, v2  }
0x93: {  	v8 =	vor.u32 $0x5, v2;
	[tilespmem:v2+s14+$0x0] =	vst.idx.msk $0xffff, v1;
	v7 =	vadd.s32 $0x186A0, v1  }
0x94: {  	v55 =	vor.u32 $0x6, v2;
	[tilespmem:v3+s14+$0x0] =	vst.idx.msk $0xffff, v7;
	v3 =	vadd.s32 $0x30D40, v1  }
0x95: {  	v56 =	vor.u32 $0x7, v2;
	[tilespmem:v4+s14+$0x0] =	vst.idx.msk $0xffff, v3;
	v3 =	vadd.s32 $0x493E0, v1  }
0x96: {  	v57 =	vor.u32 $0x8, v2;
	[tilespmem:v5+s14+$0x0] =	vst.idx.msk $0xffff, v3;
	v3 =	vadd.s32 $0x61A80, v1  }
0x97: {  	v58 =	vor.u32 $0x9, v2;
	[tilespmem:v6+s14+$0x0] =	vst.idx.msk $0xffff, v3;
	v3 =	vadd.s32 $0x7A120, v1  }
0x98: {  	v59 =	vor.u32 $0xA, v2;
	[tilespmem:v8+s14+$0x0] =	vst.idx.msk $0xffff, v3;
	v3 =	vadd.s32 $0x927C0, v1  }
0x99: {  	v60 =	vor.u32 $0xB, v2;
	[tilespmem:v55+s14+$0x0] =	vst.idx.msk $0xffff, v3;
	v3 =	vadd.s32 $0xAAE60, v1  }
0x9a: {  	v61 =	vor.u32 $0xC, v2;
	[tilespmem:v56+s14+$0x0] =	vst.idx.msk $0xffff, v3;
	v3 =	vadd.s32 $0xC3500, v1  }
0x9b: {  	v62 =	vor.u32 $0xD, v2;
	[tilespmem:v57+s14+$0x0] =	vst.idx.msk $0xffff, v3;
	v3 =	vadd.s32 $0xDBBA0, v1  }
0x9c: {  	v63 =	vor.u32 $0xE, v2;
	[tilespmem:v58+s14+$0x0] =	vst.idx.msk $0xffff, v3;
	v3 =	vadd.s32 $0xF4240, v1  }
0x9d: {  	v2 =	vor.u32 $0xF, v2;
	[tilespmem:v59+s14+$0x0] =	vst.idx.msk $0xffff, v3;
	v3 =	vadd.s32 $0x10C8E0, v1  }
0x9e: {  	[tilespmem:v60+s14+$0x0] =	vst.idx.msk $0xffff, v3;
	v3 =	vadd.s32 $0x124F80, v1  }
0x9f: {  	[tilespmem:v61+s14+$0x0] =	vst.idx.msk $0xffff, v3;
	v3 =	vadd.s32 $0x13D620, v1  }
0xa0: {  	[tilespmem:v62+s14+$0x0] =	vst.idx.msk $0xffff, v3;
	v3 =	vadd.s32 $0x155CC0, v1  }
0xa1: {  	v1 =	vadd.s32 $0x16E360, v1;
	[tilespmem:v63+s14+$0x0] =	vst.idx.msk $0xffff, v3  }
0xa2: {  	s31 =	sshll.u32 s24, $0xE;
	[tilespmem:v2+s14+$0x0] =	vst.idx.msk $0xffff, v1  }
0xa3: {  	[tilespmem:s15], [sflag:$0x2] =	stream.indirect.gather [hbm4b:s4+s12], $0x1, s14, s12, $0xb8;
	[tilespmem:$0xE800] =	vst v63  }
0xa4: {  	s26 =	sadd.s32 s7, s31;
	_ =	swait.ge [sflag:s16], $0x2000  }
0xa5: {  	s26 =	sshrl.u32 s26, $0x3;
	[sflag:s16] =	ssyncset.done $0x0  }
0xa6: {  	s25 =	sshll.u32 s25, $0xD;
	s26 =	sadd.s32 s5, s26;
	[sflag:s16] =	ssyncadd.s32 $0xFFFFE000  }
0xa7: {  	[hbm4b:s26+s3] =	stream.linear.scatter [tilespmem:s13], [sflag:$0x3], $0x2000, $0x38;
	[tilespmem:$0xE800] =	vst v63  }
0xa8: {  	s25 =	sadd.s32 s7, s25;
	_ =	swait.ge [sflag:s17], $0x2000  }
0xa9: {  	s25 =	sshrl.u32 s25, $0x3;
	[sflag:s17] =	ssyncset.done $0x0  }
0xaa: {  	s24 =	sadd.s32 $0x1, s24;
	s25 =	sadd.s32 s5, s25;
	[sflag:s17] =	ssyncadd.s32 $0xFFFFE000  }
0xab: {  	[hbm4b:s25+s3] =	stream.linear.scatter [tilespmem:s15], [sflag:$0x4], $0x2000, $0x38;
	[tilespmem:$0xE800] =	vst v63  }
0xac: {  	p0 =	sne.s32 s24, $0xD;
	_ =	swait.ge [sflag:s18], $0x2000  }
.Ltmp3:
0xad: {  	[sflag:s18] =	ssyncset.done $0x0;
	(pc) =	sbr.rel @p0 .LBB2_4-.Ltmp3, $4  }
0xae: {  	[sflag:s18] =	ssyncadd.s32 $0xFFFFE000  }
0xaf: {  	_ =	swait.ge [sflag:s19], $0x2000  }
0xb0: {  	[sflag:s19] =	ssyncset.done $0x0  }
0xb1: {  	s23 =	sadd.s32 $0x400, s23;
	s22 =	sadd.s32 $0x400, s22;
	[sflag:s19] =	ssyncadd.s32 $0xFFFFE000  }
0xb2: {  	s20 =	sadd.s32 $0x1, s20  }
0xb3: {  	p0 =	sne.s32 s20, s8  }
.Ltmp4:
0xb4: {  	_ = 	snop;
	(pc) =	sbr.rel @p0 .LBB2_1-.Ltmp4, $1  }
0xb5: {  	_ =	sdelay $0x3  }
0xb6: {  	_ =	sfence.sel $0x180000  }
0xb7: {  	[bflag:$0x0] =	sbarrier.arrive $0xFFFF  }
0xb8: {  	p0 =	sne.s32 s0, $0x0;
	_ =	strace $0x90000047  }
0xb9: {  	s0 =	sadd.s32 @!p0 $0x100000, s1;
	[bflag:$0x2] =	sbarrier.arrive $0xFFFF  }
0xba: {  	[sflag:s0] =	ssyncadd.tile.s32 @!p0 $0x1;
	_ =	shalt  }
.Lfunc_end2:
_tile_overlayer_lowered:
.L_overlay_start_2:
0xbb: {  	(tag) =	ssettag $0x2  }
0xbc: {  	s0 =	rddreg [dreg:$0x0];
	s2 =	stileid.u32  }
0xbd: {  	s1 =	rddreg [dreg:$0x1];
	p0 =	sne.s32 s2, $0x0  }
0xbe: {  	s3 =	rddreg [dreg:$0x2];
	[bflag:$0x3] =	sbarrier.arrive $0xFFFF;
	s2 =	simm.s32 @!p0 $0x1C05  }
0xbf: {  	[timem:s3], [sflag:s2] =	dma.local @!p0 [hbm:s0], s1  }
0xc0: {  	s0 =	simm.s32 @!p0 $0x5  }
0xc1: {  	_ =	swait.ge @!p0 [sflag:s0], s1  }
0xc2: {  	s1 =	ssub.s32 @!p0 $0x0, s1;
	[sflag:s0] =	ssyncset.done @!p0 $0x0  }
0xc3: {  	[sflag:s0] =	ssyncadd.s32 @!p0 s1  }
0xc4: {  	[bflag:$0x3] =	sbarrier.arrive $0xFFFF  }
0xc5: {  	_ =	shalt  }

</sc_bundles>
